<compile_context>
chip_gen: v7x
topology: tpu7x:2x2x1
jax: 0.10.2.dev20260603
libtpu: 0.0.44.dev20260713+nightly
codegen_flags: <defaults>
</compile_context>

<pallas_src>
import functools

import jax
import jax.numpy as jnp
from jax import lax
from jax.experimental import pallas as pl
from jax.experimental.pallas import tpu as pltpu
from jax.experimental.pallas import tpu_sc as plsc

MAX_LEN = 200
N_FILTERS = 128
BATCH = 4096
SEQ = 200

_B = BATCH * SEQ
_NC = 2
_NS = 16
_NW = _NC * _NS
_PER_W = _B // _NW
_R = 256
_CHUNKS = _PER_W // _R


def _build_gather():
    mesh = plsc.VectorSubcoreMesh(core_axis_name="c", subcore_axis_name="s")

    @functools.partial(
        pl.kernel,
        mesh=mesh,
        out_type=jax.ShapeDtypeStruct((_B, N_FILTERS), jnp.float32),
        scratch_types=[
            pltpu.VMEM_SHARED((MAX_LEN, N_FILTERS), jnp.float32),
            pltpu.VMEM((_R,), jnp.int32),
            pltpu.VMEM((_R,), jnp.int32),
            pltpu.VMEM((_R, N_FILTERS), jnp.float32),
            pltpu.VMEM((_R, N_FILTERS), jnp.float32),
            pltpu.SemaphoreType.DMA,
            pltpu.SemaphoreType.DMA,
            pltpu.SemaphoreType.DMA,
            pltpu.SemaphoreType.DMA,
            pltpu.SemaphoreType.DMA,
            pltpu.SemaphoreType.DMA,
        ],
    )
    def gather_kernel(table_hbm, idx_hbm, out_hbm,
                      table_sh, idx0, idx1, rows0, rows1,
                      si0, si1, sg0, sg1, so0, so1):
        wid = lax.axis_index("s") * _NC + lax.axis_index("c")
        base0 = wid * _PER_W
        idx_b = (idx0, idx1)
        rows_b = (rows0, rows1)
        si_b = (si0, si1)
        sg_b = (sg0, sg1)
        so_b = (so0, so1)

        def idx_slice(i):
            return idx_hbm.at[pl.ds(base0 + i * _R, _R)]

        def out_slice(i):
            return out_hbm.at[pl.ds(base0 + i * _R, _R)]

        @pl.when(lax.axis_index("s") == 0)
        def _():
            pltpu.sync_copy(table_hbm, table_sh)

        plsc.subcore_barrier()

        pltpu.async_copy(idx_slice(0), idx0, si0)
        pltpu.async_copy(idx_slice(1), idx1, si1)
        pltpu.make_async_copy(idx_slice(0), idx0, si0).wait()
        pltpu.async_copy(table_sh.at[idx0], rows0, sg0)

        def pair(j, carry):
            for b in range(2):
                i = 2 * j + b
                nb = 1 - b

                @pl.when(i >= 1)
                def _():
                    pltpu.make_async_copy(rows_b[nb], out_slice(i - 1),
                                          so_b[nb]).wait()

                @pl.when(i + 1 < _CHUNKS)
                def _():
                    pltpu.make_async_copy(idx_slice(i + 1), idx_b[nb],
                                          si_b[nb]).wait()
                    pltpu.async_copy(table_sh.at[idx_b[nb]], rows_b[nb],
                                     sg_b[nb])

                pltpu.make_async_copy(table_sh.at[idx_b[b]], rows_b[b],
                                      sg_b[b]).wait()

                @pl.when(i + 2 < _CHUNKS)
                def _():
                    pltpu.async_copy(idx_slice(i + 2), idx_b[b], si_b[b])

                pltpu.async_copy(rows_b[b], out_slice(i), so_b[b])
            return carry

        lax.fori_loop(0, _CHUNKS // 2, pair, 0)

        pltpu.make_async_copy(rows_b[1], out_slice(_CHUNKS - 1),
                              so_b[1]).wait()

    return gather_kernel


_gather = _build_gather()


@jax.jit
def kernel(categories, ce):
    idx = categories.reshape(_B)
    out = _gather(ce, idx)
    return out.reshape(BATCH, SEQ, N_FILTERS)

# --- scband reference (transcript-rebuilt; emitter-appended) ---
"""Pipeline reference for scband-category-encoding-32117765439641 (READ-ONLY COPY).

The authoritative reference and input builder live on the scoring server;
editing this copy changes nothing except your own understanding.
"""

import jax, jax.numpy as jnp
import numpy as np

MAX_LEN = 200
N_FILTERS = 128
BATCH = 4096
SEQ = 200

def _make_ce(max_len, n_filters):
    position = jnp.arange(max_len, dtype=jnp.float32)[:, None]
    div_term = jnp.exp(jnp.arange(0, n_filters, 2, dtype=jnp.float32) * -(np.log(10000.0) / n_filters))
    ce = jnp.zeros((max_len, n_filters), dtype=jnp.float32)
    ce = ce.at[:, 0::2].set(jnp.sin(position * div_term))
    ce = ce.at[:, 1::2].set(jnp.cos(position * div_term))
    return ce

def setup_inputs(seed: int = 0):
    key = jax.random.key(seed)
    categories = jax.random.randint(key, (BATCH, SEQ), 0, MAX_LEN, dtype=jnp.int32)
    ce = _make_ce(MAX_LEN, N_FILTERS)
    return {"categories": categories, "ce": ce}

def reference(categories, ce):
    # Equivalent to per-batch ce[categories[b]] stacked over b: a single gather on axis 0
    return jnp.take(ce, categories, axis=0)

if __name__ == "__main__":
    import jax
    _d = setup_inputs()
    print(jax.jit(kernel)(*tuple(_d.values())))

</pallas_src>

<mosaic_0001>
#map = affine_map<(d0, d1) -> (0, 0)>
#map1 = affine_map<(d0, d1) -> (0)>
module attributes {stable_mosaic.version = 14 : i64} {
  func.func @gather_kernel(%arg0: i32, %arg1: i32, %arg2: memref<200x128xf32, #tpu.memory_space<hbm>>, %arg3: memref<819200xi32, #tpu.memory_space<hbm>>, %arg4: memref<819200x128xf32, #tpu.memory_space<hbm>>, %arg5: memref<200x128xf32, #tpu.memory_space<vmem_shared>>, %arg6: memref<256xi32, #tpu.memory_space<vmem>>, %arg7: memref<256xi32, #tpu.memory_space<vmem>>, %arg8: memref<256x128xf32, #tpu.memory_space<vmem>>, %arg9: memref<256x128xf32, #tpu.memory_space<vmem>>, %arg10: memref<!tpu.dma_semaphore, #tpu.memory_space<semaphore_mem>>, %arg11: memref<!tpu.dma_semaphore, #tpu.memory_space<semaphore_mem>>, %arg12: memref<!tpu.dma_semaphore, #tpu.memory_space<semaphore_mem>>, %arg13: memref<!tpu.dma_semaphore, #tpu.memory_space<semaphore_mem>>, %arg14: memref<!tpu.dma_semaphore, #tpu.memory_space<semaphore_mem>>, %arg15: memref<!tpu.dma_semaphore, #tpu.memory_space<semaphore_mem>>) attributes {dimension_semantics = [#tpu.dimension_semantics<core_parallel>, #tpu.dimension_semantics<subcore_parallel>], iteration_bounds = array<i64: 2, 16>, scalar_prefetch = 0 : i64, scratch_operands = 11 : i64, tpu.core_type = #tpu.core_type<sc_vector_subcore>, window_params = [{transform_indices = #map}, {transform_indices = #map1}, {transform_indices = #map}]} {
    %mul3A = arith.constant 2 : i32
    %mul3A_0 = arith.muli %arg1, %mul3A : i32
    %add3A = arith.addi %mul3A_0, %arg0 : i32
    %mul3A_1 = arith.constant 25600 : i32
    %mul3A_2 = arith.muli %add3A, %mul3A_1 : i32
    %eq3A = arith.constant 0 : i32
    %eq3A_3 = arith.cmpi eq, %arg1, %eq3A : i32
    %convert_element_type3A = arith.extui %eq3A_3 : i1 to i32
    %cond3A = arith.constant 0 : i32
    %cond3A_4 = arith.cmpi ne, %convert_element_type3A, %cond3A : i32
    scf.if %cond3A_4 {
      "tpu.region"() ({
        %run_scoped3A = tpu.sem_alloc : memref<!tpu.dma_semaphore, #tpu.memory_space<semaphore_mem>>
        tpu.enqueue_dma source(%arg2 : memref<200x128xf32, #tpu.memory_space<hbm>>) target(%arg5 : memref<200x128xf32, #tpu.memory_space<vmem_shared>>) target_semaphore(%run_scoped3A : memref<!tpu.dma_semaphore, #tpu.memory_space<semaphore_mem>>)
        tpu.wait_dma2 semaphore(%run_scoped3A : memref<!tpu.dma_semaphore, #tpu.memory_space<semaphore_mem>>) src(%arg2 : memref<200x128xf32, #tpu.memory_space<hbm>>) dst(%arg5 : memref<200x128xf32, #tpu.memory_space<vmem_shared>>)
        tpu.yield
      }) : () -> ()
    } else {
    }
    %barrier3A = arith.constant 0 : index
    tpu.barrier barrier_id(%barrier3A)
    %add3A_5 = arith.constant 0 : i32
    %add3A_6 = arith.addi %mul3A_2, %add3A_5 : i32
    %dma_start3A = tpu.memref_slice %arg3[%add3A_6] : memref<819200xi32, #tpu.memory_space<hbm>> -> memref<256xi32, #tpu.memory_space<hbm>>
    %dma_start3A_7 = tpu.memref_slice %arg3[%add3A_6] : memref<819200xi32, #tpu.memory_space<hbm>> -> memref<256xi32, #tpu.memory_space<hbm>>
    tpu.enqueue_dma source(%dma_start3A_7 : memref<256xi32, #tpu.memory_space<hbm>>) target(%arg6 : memref<256xi32, #tpu.memory_space<vmem>>) target_semaphore(%arg10 : memref<!tpu.dma_semaphore, #tpu.memory_space<semaphore_mem>>)
    %add3A_8 = arith.constant 256 : i32
    %add3A_9 = arith.addi %mul3A_2, %add3A_8 : i32
    %dma_start3A_10 = tpu.memref_slice %arg3[%add3A_9] : memref<819200xi32, #tpu.memory_space<hbm>> -> memref<256xi32, #tpu.memory_space<hbm>>
    %dma_start3A_11 = tpu.memref_slice %arg3[%add3A_9] : memref<819200xi32, #tpu.memory_space<hbm>> -> memref<256xi32, #tpu.memory_space<hbm>>
    tpu.enqueue_dma source(%dma_start3A_11 : memref<256xi32, #tpu.memory_space<hbm>>) target(%arg7 : memref<256xi32, #tpu.memory_space<vmem>>) target_semaphore(%arg11 : memref<!tpu.dma_semaphore, #tpu.memory_space<semaphore_mem>>)
    %add3A_12 = arith.constant 0 : i32
    %add3A_13 = arith.addi %mul3A_2, %add3A_12 : i32
    %dma_wait3A = tpu.memref_slice %arg3[%add3A_13] : memref<819200xi32, #tpu.memory_space<hbm>> -> memref<256xi32, #tpu.memory_space<hbm>>
    %dma_wait3A_14 = tpu.memref_slice %arg3[%add3A_13] : memref<819200xi32, #tpu.memory_space<hbm>> -> memref<256xi32, #tpu.memory_space<hbm>>
    tpu.wait_dma2 semaphore(%arg10 : memref<!tpu.dma_semaphore, #tpu.memory_space<semaphore_mem>>) src(%dma_wait3A_14 : memref<256xi32, #tpu.memory_space<hbm>>) dst(%arg6 : memref<256xi32, #tpu.memory_space<vmem>>)
    %dma_start3A_15 = arith.constant 0 : i32
    %dma_start3A_16 = arith.constant 0 : i32
    %dma_start3A_17 = tpu.memref_slice %arg5[%dma_start3A_15, %dma_start3A_16] : memref<200x128xf32, #tpu.memory_space<vmem_shared>> -> memref<200x128xf32, #tpu.memory_space<vmem_shared>>
    tpu.enqueue_indirect_dma source(%dma_start3A_17 : memref<200x128xf32, #tpu.memory_space<vmem_shared>>) target(%arg8 : memref<256x128xf32, #tpu.memory_space<vmem>>) offsets(%arg6 : memref<256xi32, #tpu.memory_space<vmem>>) semaphore(%arg12 : memref<!tpu.dma_semaphore, #tpu.memory_space<semaphore_mem>>)
    %scan3A = arith.constant 0 : i32
    %scan3A_18 = arith.constant 0 : i32
    %scan3A_19 = arith.constant 50 : i32
    %scan3A_20 = arith.addi %scan3A_18, %scan3A_19 : i32
    %scan3A_21 = arith.constant 1 : i32
    scf.for %scan3A_29 = %scan3A_18 to %scan3A_20 step %scan3A_21  : i32 {
      %mul3A_30 = arith.constant 2 : i32
      %mul3A_31 = arith.muli %mul3A_30, %scan3A_29 : i32
      %add3A_32 = arith.constant 0 : i32
      %add3A_33 = arith.addi %mul3A_31, %add3A_32 : i32
      %ge3A = arith.constant 1 : i32
      %ge3A_34 = arith.cmpi sge, %add3A_33, %ge3A : i32
      %convert_element_type3A_35 = arith.extui %ge3A_34 : i1 to i32
      %cond3A_36 = arith.constant 0 : i32
      %cond3A_37 = arith.cmpi ne, %convert_element_type3A_35, %cond3A_36 : i32
      scf.if %cond3A_37 {
        %sub3A = arith.constant 1 : i32
        %sub3A_94 = arith.subi %add3A_33, %sub3A : i32
        %mul3A_95 = arith.constant 256 : i32
        %mul3A_96 = arith.muli %sub3A_94, %mul3A_95 : i32
        %add3A_97 = arith.addi %mul3A_2, %mul3A_96 : i32
        %dma_wait3A_98 = arith.constant 0 : i32
        %dma_wait3A_99 = tpu.memref_slice %arg4[%add3A_97, %dma_wait3A_98] : memref<819200x128xf32, #tpu.memory_space<hbm>> -> memref<256x128xf32, #tpu.memory_space<hbm>>
        %dma_wait3A_100 = arith.constant 0 : i32
        %dma_wait3A_101 = tpu.memref_slice %arg4[%add3A_97, %dma_wait3A_100] : memref<819200x128xf32, #tpu.memory_space<hbm>> -> memref<256x128xf32, #tpu.memory_space<hbm>>
        tpu.wait_dma2 semaphore(%arg15 : memref<!tpu.dma_semaphore, #tpu.memory_space<semaphore_mem>>) src(%arg9 : memref<256x128xf32, #tpu.memory_space<vmem>>) dst(%dma_wait3A_101 : memref<256x128xf32, #tpu.memory_space<hbm>>)
      } else {
      }
      %add3A_38 = arith.constant 1 : i32
      %add3A_39 = arith.addi %add3A_33, %add3A_38 : i32
      %lt3A = arith.constant 100 : i32
      %lt3A_40 = arith.cmpi slt, %add3A_39, %lt3A : i32
      %convert_element_type3A_41 = arith.extui %lt3A_40 : i1 to i32
      %cond3A_42 = arith.constant 0 : i32
      %cond3A_43 = arith.cmpi ne, %convert_element_type3A_41, %cond3A_42 : i32
      scf.if %cond3A_43 {
        %add3A_94 = arith.constant 1 : i32
        %add3A_95 = arith.addi %add3A_33, %add3A_94 : i32
        %mul3A_96 = arith.constant 256 : i32
        %mul3A_97 = arith.muli %add3A_95, %mul3A_96 : i32
        %add3A_98 = arith.addi %mul3A_2, %mul3A_97 : i32
        %dma_wait3A_99 = tpu.memref_slice %arg3[%add3A_98] : memref<819200xi32, #tpu.memory_space<hbm>> -> memref<256xi32, #tpu.memory_space<hbm>>
        %dma_wait3A_100 = tpu.memref_slice %arg3[%add3A_98] : memref<819200xi32, #tpu.memory_space<hbm>> -> memref<256xi32, #tpu.memory_space<hbm>>
        tpu.wait_dma2 semaphore(%arg11 : memref<!tpu.dma_semaphore, #tpu.memory_space<semaphore_mem>>) src(%dma_wait3A_100 : memref<256xi32, #tpu.memory_space<hbm>>) dst(%arg7 : memref<256xi32, #tpu.memory_space<vmem>>)
        %dma_start3A_101 = arith.constant 0 : i32
        %dma_start3A_102 = arith.constant 0 : i32
        %dma_start3A_103 = tpu.memref_slice %arg5[%dma_start3A_101, %dma_start3A_102] : memref<200x128xf32, #tpu.memory_space<vmem_shared>> -> memref<200x128xf32, #tpu.memory_space<vmem_shared>>
        tpu.enqueue_indirect_dma source(%dma_start3A_103 : memref<200x128xf32, #tpu.memory_space<vmem_shared>>) target(%arg9 : memref<256x128xf32, #tpu.memory_space<vmem>>) offsets(%arg7 : memref<256xi32, #tpu.memory_space<vmem>>) semaphore(%arg13 : memref<!tpu.dma_semaphore, #tpu.memory_space<semaphore_mem>>)
      } else {
      }
      %dma_wait3A_44 = arith.constant 0 : i32
      %dma_wait3A_45 = arith.constant 0 : i32
      %dma_wait3A_46 = tpu.memref_slice %arg5[%dma_wait3A_44, %dma_wait3A_45] : memref<200x128xf32, #tpu.memory_space<vmem_shared>> -> memref<200x128xf32, #tpu.memory_space<vmem_shared>>
      tpu.wait_indirect_dma semaphore(%arg12 : memref<!tpu.dma_semaphore, #tpu.memory_space<semaphore_mem>>) src(%dma_wait3A_46 : memref<200x128xf32, #tpu.memory_space<vmem_shared>>) dst(%arg8 : memref<256x128xf32, #tpu.memory_space<vmem>>)
      %add3A_47 = arith.constant 2 : i32
      %add3A_48 = arith.addi %add3A_33, %add3A_47 : i32
      %lt3A_49 = arith.constant 100 : i32
      %lt3A_50 = arith.cmpi slt, %add3A_48, %lt3A_49 : i32
      %convert_element_type3A_51 = arith.extui %lt3A_50 : i1 to i32
      %cond3A_52 = arith.constant 0 : i32
      %cond3A_53 = arith.cmpi ne, %convert_element_type3A_51, %cond3A_52 : i32
      scf.if %cond3A_53 {
        %add3A_94 = arith.constant 2 : i32
        %add3A_95 = arith.addi %add3A_33, %add3A_94 : i32
        %mul3A_96 = arith.constant 256 : i32
        %mul3A_97 = arith.muli %add3A_95, %mul3A_96 : i32
        %add3A_98 = arith.addi %mul3A_2, %mul3A_97 : i32
        %dma_start3A_99 = tpu.memref_slice %arg3[%add3A_98] : memref<819200xi32, #tpu.memory_space<hbm>> -> memref<256xi32, #tpu.memory_space<hbm>>
        %dma_start3A_100 = tpu.memref_slice %arg3[%add3A_98] : memref<819200xi32, #tpu.memory_space<hbm>> -> memref<256xi32, #tpu.memory_space<hbm>>
        tpu.enqueue_dma source(%dma_start3A_100 : memref<256xi32, #tpu.memory_space<hbm>>) target(%arg6 : memref<256xi32, #tpu.memory_space<vmem>>) target_semaphore(%arg10 : memref<!tpu.dma_semaphore, #tpu.memory_space<semaphore_mem>>)
      } else {
      }
      %mul3A_54 = arith.constant 256 : i32
      %mul3A_55 = arith.muli %add3A_33, %mul3A_54 : i32
      %add3A_56 = arith.addi %mul3A_2, %mul3A_55 : i32
      %dma_start3A_57 = arith.constant 0 : i32
      %dma_start3A_58 = tpu.memref_slice %arg4[%add3A_56, %dma_start3A_57] : memref<819200x128xf32, #tpu.memory_space<hbm>> -> memref<256x128xf32, #tpu.memory_space<hbm>>
      %dma_start3A_59 = arith.constant 0 : i32
      %dma_start3A_60 = tpu.memref_slice %arg4[%add3A_56, %dma_start3A_59] : memref<819200x128xf32, #tpu.memory_space<hbm>> -> memref<256x128xf32, #tpu.memory_space<hbm>>
      tpu.enqueue_dma source(%arg8 : memref<256x128xf32, #tpu.memory_space<vmem>>) target(%dma_start3A_60 : memref<256x128xf32, #tpu.memory_space<hbm>>) target_semaphore(%arg14 : memref<!tpu.dma_semaphore, #tpu.memory_space<semaphore_mem>>)
      %mul3A_61 = arith.constant 2 : i32
      %mul3A_62 = arith.muli %mul3A_61, %scan3A_29 : i32
      %add3A_63 = arith.constant 1 : i32
      %add3A_64 = arith.addi %mul3A_62, %add3A_63 : i32
      %ge3A_65 = arith.constant 1 : i32
      %ge3A_66 = arith.cmpi sge, %add3A_64, %ge3A_65 : i32
      %convert_element_type3A_67 = arith.extui %ge3A_66 : i1 to i32
      %cond3A_68 = arith.constant 0 : i32
      %cond3A_69 = arith.cmpi ne, %convert_element_type3A_67, %cond3A_68 : i32
      scf.if %cond3A_69 {
        %sub3A = arith.constant 1 : i32
        %sub3A_94 = arith.subi %add3A_64, %sub3A : i32
        %mul3A_95 = arith.constant 256 : i32
        %mul3A_96 = arith.muli %sub3A_94, %mul3A_95 : i32
        %add3A_97 = arith.addi %mul3A_2, %mul3A_96 : i32
        %dma_wait3A_98 = arith.constant 0 : i32
        %dma_wait3A_99 = tpu.memref_slice %arg4[%add3A_97, %dma_wait3A_98] : memref<819200x128xf32, #tpu.memory_space<hbm>> -> memref<256x128xf32, #tpu.memory_space<hbm>>
        %dma_wait3A_100 = arith.constant 0 : i32
        %dma_wait3A_101 = tpu.memref_slice %arg4[%add3A_97, %dma_wait3A_100] : memref<819200x128xf32, #tpu.memory_space<hbm>> -> memref<256x128xf32, #tpu.memory_space<hbm>>
        tpu.wait_dma2 semaphore(%arg14 : memref<!tpu.dma_semaphore, #tpu.memory_space<semaphore_mem>>) src(%arg8 : memref<256x128xf32, #tpu.memory_space<vmem>>) dst(%dma_wait3A_101 : memref<256x128xf32, #tpu.memory_space<hbm>>)
      } else {
      }
      %add3A_70 = arith.constant 1 : i32
      %add3A_71 = arith.addi %add3A_64, %add3A_70 : i32
      %lt3A_72 = arith.constant 100 : i32
      %lt3A_73 = arith.cmpi slt, %add3A_71, %lt3A_72 : i32
      %convert_element_type3A_74 = arith.extui %lt3A_73 : i1 to i32
      %cond3A_75 = arith.constant 0 : i32
      %cond3A_76 = arith.cmpi ne, %convert_element_type3A_74, %cond3A_75 : i32
      scf.if %cond3A_76 {
        %add3A_94 = arith.constant 1 : i32
        %add3A_95 = arith.addi %add3A_64, %add3A_94 : i32
        %mul3A_96 = arith.constant 256 : i32
        %mul3A_97 = arith.muli %add3A_95, %mul3A_96 : i32
        %add3A_98 = arith.addi %mul3A_2, %mul3A_97 : i32
        %dma_wait3A_99 = tpu.memref_slice %arg3[%add3A_98] : memref<819200xi32, #tpu.memory_space<hbm>> -> memref<256xi32, #tpu.memory_space<hbm>>
        %dma_wait3A_100 = tpu.memref_slice %arg3[%add3A_98] : memref<819200xi32, #tpu.memory_space<hbm>> -> memref<256xi32, #tpu.memory_space<hbm>>
        tpu.wait_dma2 semaphore(%arg10 : memref<!tpu.dma_semaphore, #tpu.memory_space<semaphore_mem>>) src(%dma_wait3A_100 : memref<256xi32, #tpu.memory_space<hbm>>) dst(%arg6 : memref<256xi32, #tpu.memory_space<vmem>>)
        %dma_start3A_101 = arith.constant 0 : i32
        %dma_start3A_102 = arith.constant 0 : i32
        %dma_start3A_103 = tpu.memref_slice %arg5[%dma_start3A_101, %dma_start3A_102] : memref<200x128xf32, #tpu.memory_space<vmem_shared>> -> memref<200x128xf32, #tpu.memory_space<vmem_shared>>
        tpu.enqueue_indirect_dma source(%dma_start3A_103 : memref<200x128xf32, #tpu.memory_space<vmem_shared>>) target(%arg8 : memref<256x128xf32, #tpu.memory_space<vmem>>) offsets(%arg6 : memref<256xi32, #tpu.memory_space<vmem>>) semaphore(%arg12 : memref<!tpu.dma_semaphore, #tpu.memory_space<semaphore_mem>>)
      } else {
      }
      %dma_wait3A_77 = arith.constant 0 : i32
      %dma_wait3A_78 = arith.constant 0 : i32
      %dma_wait3A_79 = tpu.memref_slice %arg5[%dma_wait3A_77, %dma_wait3A_78] : memref<200x128xf32, #tpu.memory_space<vmem_shared>> -> memref<200x128xf32, #tpu.memory_space<vmem_shared>>
      tpu.wait_indirect_dma semaphore(%arg13 : memref<!tpu.dma_semaphore, #tpu.memory_space<semaphore_mem>>) src(%dma_wait3A_79 : memref<200x128xf32, #tpu.memory_space<vmem_shared>>) dst(%arg9 : memref<256x128xf32, #tpu.memory_space<vmem>>)
      %add3A_80 = arith.constant 2 : i32
      %add3A_81 = arith.addi %add3A_64, %add3A_80 : i32
      %lt3A_82 = arith.constant 100 : i32
      %lt3A_83 = arith.cmpi slt, %add3A_81, %lt3A_82 : i32
      %convert_element_type3A_84 = arith.extui %lt3A_83 : i1 to i32
      %cond3A_85 = arith.constant 0 : i32
      %cond3A_86 = arith.cmpi ne, %convert_element_type3A_84, %cond3A_85 : i32
      scf.if %cond3A_86 {
        %add3A_94 = arith.constant 2 : i32
        %add3A_95 = arith.addi %add3A_64, %add3A_94 : i32
        %mul3A_96 = arith.constant 256 : i32
        %mul3A_97 = arith.muli %add3A_95, %mul3A_96 : i32
        %add3A_98 = arith.addi %mul3A_2, %mul3A_97 : i32
        %dma_start3A_99 = tpu.memref_slice %arg3[%add3A_98] : memref<819200xi32, #tpu.memory_space<hbm>> -> memref<256xi32, #tpu.memory_space<hbm>>
        %dma_start3A_100 = tpu.memref_slice %arg3[%add3A_98] : memref<819200xi32, #tpu.memory_space<hbm>> -> memref<256xi32, #tpu.memory_space<hbm>>
        tpu.enqueue_dma source(%dma_start3A_100 : memref<256xi32, #tpu.memory_space<hbm>>) target(%arg7 : memref<256xi32, #tpu.memory_space<vmem>>) target_semaphore(%arg11 : memref<!tpu.dma_semaphore, #tpu.memory_space<semaphore_mem>>)
      } else {
      }
      %mul3A_87 = arith.constant 256 : i32
      %mul3A_88 = arith.muli %add3A_64, %mul3A_87 : i32
      %add3A_89 = arith.addi %mul3A_2, %mul3A_88 : i32
      %dma_start3A_90 = arith.constant 0 : i32
      %dma_start3A_91 = tpu.memref_slice %arg4[%add3A_89, %dma_start3A_90] : memref<819200x128xf32, #tpu.memory_space<hbm>> -> memref<256x128xf32, #tpu.memory_space<hbm>>
      %dma_start3A_92 = arith.constant 0 : i32
      %dma_start3A_93 = tpu.memref_slice %arg4[%add3A_89, %dma_start3A_92] : memref<819200x128xf32, #tpu.memory_space<hbm>> -> memref<256x128xf32, #tpu.memory_space<hbm>>
      tpu.enqueue_dma source(%arg9 : memref<256x128xf32, #tpu.memory_space<vmem>>) target(%dma_start3A_93 : memref<256x128xf32, #tpu.memory_space<hbm>>) target_semaphore(%arg15 : memref<!tpu.dma_semaphore, #tpu.memory_space<semaphore_mem>>)
    }
    %scan3A_22 = arith.constant 50 : i32
    %add3A_23 = arith.constant 25344 : i32
    %add3A_24 = arith.addi %mul3A_2, %add3A_23 : i32
    %dma_wait3A_25 = arith.constant 0 : i32
    %dma_wait3A_26 = tpu.memref_slice %arg4[%add3A_24, %dma_wait3A_25] : memref<819200x128xf32, #tpu.memory_space<hbm>> -> memref<256x128xf32, #tpu.memory_space<hbm>>
    %dma_wait3A_27 = arith.constant 0 : i32
    %dma_wait3A_28 = tpu.memref_slice %arg4[%add3A_24, %dma_wait3A_27] : memref<819200x128xf32, #tpu.memory_space<hbm>> -> memref<256x128xf32, #tpu.memory_space<hbm>>
    tpu.wait_dma2 semaphore(%arg15 : memref<!tpu.dma_semaphore, #tpu.memory_space<semaphore_mem>>) src(%arg9 : memref<256x128xf32, #tpu.memory_space<vmem>>) dst(%dma_wait3A_28 : memref<256x128xf32, #tpu.memory_space<hbm>>)
    return
  }
}

</mosaic_0001>

<sc_bundles>
// kernel: kernel.3.cloned.1.call-start
scs
__scs_entry_jumppad:
0x0: {  	(pc) =	sbr.rel $0x88, $3  }
0x1: {  	(tag) =	ssettag $0x0;
	lr =	simm.s32 $0x1  }
0x2: {  	[smem:$0x3F9F] =	sst lr;
	_ =	strace $0xD0000000  }
0x3: {  	_ = 	snop  }
0x4: {  	_ = 	snop  }
0x5: {  	_ = 	snop  }
0x6: {  	_ = 	snop  }
0x7: {  	_ = 	snop  }
__scs_overlays_trampoline_lowered:
0x8: {  	[smem:$0x3FAE] =	sst s0  }
0x9: {  	[smem:$0x3FAF] =	sst s1  }
0xa: {  	[smem:$0x3FB0] =	sst s2  }
0xb: {  	[smem:$0x3FB1] =	sst s3  }
0xc: {  	[smem:$0x3FB2] =	sst s4  }
0xd: {  	[smem:$0x3FB3] =	sst s5  }
0xe: {  	[smem:$0x3FB4] =	sst s6  }
0xf: {  	[smem:$0x3FB5] =	sst s7  }
0x10: {  	[smem:$0x3FB6] =	sst s8  }
0x11: {  	[smem:$0x3FB7] =	sst s9;
	s0 =	simm.s32 @!p0 $0x0  }
0x12: {  	s1 =	sld [smem:$0x3F9D];
	s0 =	simm.s32 @p0 $0x1  }
0x13: {  	[smem:$0x3FB8] =	sst s0;
	s0 =	simm.s32 @!p1 $0x0  }
0x14: {  	s2 =	sld [smem:$0x3F9C];
	s0 =	simm.s32 @p1 $0x1  }
0x15: {  	[smem:$0x3FB9] =	sst s0;
	s0 =	simm.s32 @!p2 $0x0  }
0x16: {  	s3 =	sld [smem:$0x3FDB];
	s0 =	simm.s32 @p2 $0x1  }
0x17: {  	s4 =	simm.s32 $0x1BF5;
	[smem:$0x3FBB] =	sst s0  }
0x18: {  	s0 =	sld [smem:$0x3F9E];
	_ =	swait.ge [sflag:s4], $0x0  }
0x19: {  	s7 =	sld [smem:$0x3F9F]  }
0x1a: {  	s8 =	sadd.s32 $0xFFFFE003, lr  }
0x1b: {  	s9 =	sadd.s32 $0xFFFFFEF7, lr;
	s5 =	simm.s32 $0xFFFFFFFF;
	p2 =	slt.u32 s8, $0xFFFFF086  }
0x1c: {  	p1 =	slt.u32 s9, $0xF7A;
	s5 =	simm.s32 @!p2 $0x0  }
0x1d: {  	s5 =	simm.s32 @p1 $0x1;
	p0 =	seq.s32 s7, s2  }
0x1e: {  	s7 =	smul.u32 @!p0 $0xF7A, s2;
	p2 =	seq.s32 @!p0 s5, $0x0  }
0x1f: {  	s9 =	smul.u32 $0xF7A, s1;
	s8 =	simm.s32 @!p0 $0x1BF5;
	p2 =	por !p2, p0  }
0x20: {  	[sflag:s8] =	ssyncset.s32 @!p0 $0xFFFFF086;
	s6 =	sadd.s32 @!p0 s3, s7;
	s7 =	simm.s32 @!p0 $0x108  }
0x21: {  	s3 =	sadd.s32 s3, s9;
	s6 =	sadd.s32 @!p0 $0x88, s6;
	s7 =	simm.s32 @p2 $0x1082  }
0x22: {  	[simem:s7], [sflag:s8] =	dma.local @!p0 [hbm:s6], $0xF7A  }
0x23: {  	s9 =	sor.u32 $0xD0000000, s2;
	s6 =	simm.s32 $0x108;
	_ =	swait.ge @!p0 [sflag:s8], $0x0  }
0x24: {  	s3 =	sadd.s32 $0x88, s3;
	s6 =	simm.s32 @!p1 $0x1082;
	[sflag:s4] =	ssyncset.s32 $0xFFFFF086  }
0x25: {  	[simem:s6], [sflag:s4] =	dma.local [hbm:s3], $0xF7A  }
0x26: {  	[smem:$0x3F9F] =	sst s1;
	(tag) =	ssettag s2;
	_ =	strace s9  }
0x27: {  	s1 =	sld [smem:$0x3FAF]  }
0x28: {  	s2 =	sld [smem:$0x3FB0]  }
0x29: {  	s4 =	sld [smem:$0x3FB2]  }
0x2a: {  	p0 =	seq.s32 s5, $0x0;
	s5 =	sld [smem:$0x3FB3]  }
0x2b: {  	s6 =	sld [smem:$0x3FB4]  }
0x2c: {  	s7 =	sld [smem:$0x3FB5]  }
0x2d: {  	s3 =	simm.s32 $0x108;
	s8 =	sld [smem:$0x3FB6]  }
0x2e: {  	s3 =	simm.s32 @!p0 $0x1082;
	s9 =	sld [smem:$0x3FB7]  }
0x2f: {  	lr =	sadd.s32 s0, s3;
	s0 =	sld [smem:$0x3FAE]  }
0x30: {  	s3 =	sld [smem:$0x3FB1]  }
0x31: {  	[smem:$0x3FBA] =	sst s10  }
0x32: {  	s10 =	sld [smem:$0x3FB8];
	_ =	sdelay $0x3  }
0x33: {  	p0 =	seq.s32 s10, $0x1;
	s10 =	sld [smem:$0x3FBA];
	_ =	sdelay $0x3  }
0x34: {  	[smem:$0x3FBA] =	sst s10  }
0x35: {  	s10 =	sld [smem:$0x3FB9];
	_ =	sdelay $0x3  }
0x36: {  	p1 =	seq.s32 s10, $0x1;
	s10 =	sld [smem:$0x3FBA];
	_ =	sdelay $0x3  }
0x37: {  	[smem:$0x3FBA] =	sst s10  }
0x38: {  	s10 =	sld [smem:$0x3FBB]  }
0x39: {  	_ = 	snop;
	(pc) =	sbr.ind lr, $3  }
0x3a: {  	_ = 	snop  }
0x3b: {  	_ = 	snop  }
0x3c: {  	p2 =	seq.s32 s10, $0x1;
	s10 =	sld [smem:$0x3FBA]  }
0x3d: {  	_ =	shalt  }
0x3e: {  	_ =	shalt  }
0x3f: {  	_ =	shalt  }
0x40: {  	_ =	shalt  }
0x41: {  	_ =	shalt  }
0x42: {  	_ =	shalt  }
0x43: {  	_ =	shalt  }
0x44: {  	_ =	shalt  }
0x45: {  	_ =	shalt  }
0x46: {  	_ =	shalt  }
0x47: {  	_ =	shalt  }
0x48: {  	_ =	shalt  }
0x49: {  	_ =	shalt  }
0x4a: {  	_ =	shalt  }
0x4b: {  	_ =	shalt  }
0x4c: {  	_ =	shalt  }
0x4d: {  	_ =	shalt  }
0x4e: {  	_ =	shalt  }
0x4f: {  	_ =	shalt  }
0x50: {  	_ =	shalt  }
0x51: {  	_ =	shalt  }
0x52: {  	_ =	shalt  }
0x53: {  	_ =	shalt  }
0x54: {  	_ =	shalt  }
0x55: {  	_ =	shalt  }
0x56: {  	_ =	shalt  }
0x57: {  	_ =	shalt  }
0x58: {  	_ =	shalt  }
0x59: {  	_ =	shalt  }
0x5a: {  	_ =	shalt  }
0x5b: {  	_ =	shalt  }
0x5c: {  	_ =	shalt  }
0x5d: {  	_ =	shalt  }
0x5e: {  	_ =	shalt  }
0x5f: {  	_ =	shalt  }
0x60: {  	_ =	shalt  }
0x61: {  	_ =	shalt  }
0x62: {  	_ =	shalt  }
0x63: {  	_ =	shalt  }
0x64: {  	_ =	shalt  }
0x65: {  	_ =	shalt  }
0x66: {  	_ =	shalt  }
0x67: {  	_ =	shalt  }
0x68: {  	_ =	shalt  }
0x69: {  	_ =	shalt  }
0x6a: {  	_ =	shalt  }
0x6b: {  	_ =	shalt  }
0x6c: {  	_ =	shalt  }
0x6d: {  	_ =	shalt  }
0x6e: {  	_ =	shalt  }
0x6f: {  	_ =	shalt  }
0x70: {  	_ =	shalt  }
0x71: {  	_ =	shalt  }
0x72: {  	_ =	shalt  }
0x73: {  	_ =	shalt  }
0x74: {  	_ =	shalt  }
0x75: {  	_ =	shalt  }
0x76: {  	_ =	shalt  }
0x77: {  	_ =	shalt  }
0x78: {  	_ =	shalt  }
0x79: {  	_ =	shalt  }
0x7a: {  	_ =	shalt  }
0x7b: {  	_ =	shalt  }
0x7c: {  	_ =	shalt  }
0x7d: {  	_ =	shalt  }
0x7e: {  	_ =	shalt  }
0x7f: {  	_ =	shalt  }
0x80: {  	_ =	shalt  }
0x81: {  	_ =	shalt  }
0x82: {  	_ =	shalt  }
0x83: {  	_ =	shalt  }
0x84: {  	_ =	shalt  }
0x85: {  	_ =	shalt  }
0x86: {  	_ =	shalt  }
0x87: {  	_ =	shalt  }
.Lfunc_end0:
.L_simem_size_0:
called_computation_lowered:
.L_overlay_start_0:
0x88: {  	s2 =	sld [smem:$0x3FD9]  }
0x89: {  	s3 =	sld [smem:$0x3FFE];
	_ =	sdelay $0x1  }
0x8a: {  	s1 =	srdreg.scid  }
0x8b: {  	s0 =	sand.u32 $0x1, s1  }
0x8c: {  	s17 =	sshll.u32 s0, $0xA;
	s2 =	sadd.s32 s3, s2  }
0x8d: {  	s2 =	sadd.s32 s2, s17  }
0x8e: {  	[smem:$0x3FC6] =	sst s2  }
0x8f: {  	_ = 	snop  }
0x90: {  	s2 =	sld [smem:$0x3FC8]  }
0x91: {  	s18 =	sld [smem:$0x3FD0];
	(tm) =	ssettm $0x1  }
0x92: {  	s4 =	sld [smem:$0x3FFB];
	_ =	sdelay $0x3  }
0x93: {  	_ =	strace s4  }
0x94: {  	s4 =	sld [smem:$0x3FFC];
	_ =	sdelay $0x3  }
0x95: {  	_ =	strace s4  }
0x96: {  	s4 =	sld [smem:$0x3FFD];
	_ =	sdelay $0x3  }
0x97: {  	_ =	strace s4  }
0x98: {  	_ =	strace $0x8FFFFFFF  }
0x99: {  	s19 =	sld [smem:$0x3FDB];
	_ =	sdelay $0x1  }
0x9a: {  	s5 =	simm.s32 $_scs_section_size  }
0x9b: {  	s6 =	simm.s32 $_size__tile_overlayer_lowered;
	s7 =	simm.s32 $_tile_overlayer_lowered  }
0x9c: {  	s22 =	simm.s32 $0x1BFF;
	s21 =	sshll.u32 s7, $0x1;
	s4 =	sadd.s32 s5, s19  }
0x9d: {  	s8 =	simm.s32 $0x0;
	s20 =	sshll.u32 s6, $0x1;
	s6 =	sadd.s32 s21, s4  }
0x9e: {  	[timem:s8], [sflag:s22] =	dma.local [hbm:s6], s20  }
0x9f: {  	_ =	swait.ge [sflag:s22], s20  }
0xa0: {  	s5 =	ssub.s32 $0x0, s20;
	[sflag:s22] =	ssyncset.done $0x0  }
0xa1: {  	[sflag:s22] =	ssyncadd.s32 s5;
	_ =	sdelay $0x1  }
0xa2: {  	s23 =	simm.s32 $0x1B8B  }
0xa3: {  	_ =	swait.ge [sflag:s23], $0x1  }
0xa4: {  	[sflag:s23] =	ssyncset.done $0x0  }
0xa5: {  	s25 =	simm.s32 $0x1B8E;
	s24 =	sld [smem:$0x3FFE];
	[sflag:s23] =	ssyncadd.s32 $0xFFFFFFFF  }
0xa6: {  	s26 =	simm.s32 $execute0_lowered;
	[smem:$0x3FD2] =	sst s25  }
0xa7: {  	s6 =	sshll.u32 s26, $0x1;
	_ =	strace $0x80000046;
	[dreg:$0x1] =	wrdreg $0xFFFFFFFF  }
0xa8: {  	s28 =	simm.s32 $_size_execute0_lowered;
	s4 =	sadd.s32 s4, s6;
	[dreg:$0x0] =	wrdreg $0x0  }
0xa9: {  	s6 =	sshll.u32 s28, $0x1;
	[dreg:$0x2] =	wrdreg s4  }
0xaa: {  	[dreg:$0x3] =	wrdreg s6  }
0xab: {  	[dreg:$0x4] =	wrdreg $0xC0  }
0xac: {  	_ =	task [dreg:s8], $0x5FFFF  }
0xad: {  	[dreg:$0x1] =	wrdreg $0xFFFFFFFF  }
0xae: {  	[dreg:$0x0] =	wrdreg $0x60  }
0xaf: {  	[dreg:$0x2] =	wrdreg s2  }
0xb0: {  	[dreg:$0x3] =	wrdreg s24  }
0xb1: {  	[dreg:$0x4] =	wrdreg s18  }
0xb2: {  	[dreg:$0x5] =	wrdreg $0x0  }
0xb3: {  	[dreg:$0x6] =	wrdreg $0x9  }
0xb4: {  	_ =	task.clear_ibuf [dreg:s8], $0x7FFFF;
	_ =	strace $0x90000046  }
0xb5: {  	s29 =	simm.s32 $0x9;
	_ =	strace $0x80000048  }
0xb6: {  	_ =	swait.ge [sflag:s29], $0x1  }
0xb7: {  	[sflag:s29] =	ssyncadd.s32 $0xFFFFFFFF  }
0xb8: {  	_ =	strace $0x90000048  }
0xb9: {  	_ =	sfence  }
0xba: {  	s30 =	sld [smem:$0x0];
	_ =	sdelay $0x2  }
0xbb: {  	s31 =	sshll.u32 s1, $0xD;
	s1 =	sshrl.u32 s1, $0x2  }
0xbc: {  	s3 =	sand.u32 $0x4000, s31;
	s1 =	sadd.s32 s1, s30  }
0xbd: {  	s0 =	sor.u32 s3, s0;
	s1 =	sshll.u32 s1, $0x11  }
0xbe: {  	s0 =	sor.u32 s1, s0  }
0xbf: {  	s0 =	sadd.s32 $0x8F2B, s0  }
0xc0: {  	[sflag:s0] =	ssyncadd.remote.s32 $0x1  }
0xc1: {  	_ =	sfence.sel $0xFFFF  }
0xc2: {  	[dreg:$0x0] =	wrdreg $0xFFFFFFFF;
	(pc) =	sbr.abs _section_cstart, $3  }
0xc3: {  	[dreg:$0x1] =	wrdreg $0xFFFFFFFF  }
0xc4: {  	_ =	task.clear_ibuf [dreg:s8], $0x2FFFF;
	_ =	strace $0x9FFFFFFF  }
0xc5: {  	(tm) =	ssettm $0x7FFFFFFF  }
tec
execute0_lowered:
.L_overlay_start_1:
0x0: {  	(tag) =	ssettag $0x1  }
0x1: {  	s0 =	rddreg [dreg:$0x1]  }
0x2: {  	s1 =	rddreg [dreg:$0x2];
	s3 =	srdreg.scid  }
0x3: {  	s5 =	stileid.u32;
	s2 =	rddreg [dreg:$0x3];
	s28 =	simm.s32 $0x4  }
0x4: {  	s29 =	simm.s32 $0x6;
	s30 =	simm.s32 $0x0;
	s12 =	sand.u32 $0x1, s3  }
0x5: {  	s4 =	sshll.u32 s5, $0x1;
	s3 =	simm.s32 $0x0;
	s13 =	smul.u32 $0xC800, s5  }
0x6: {  	s0 =	sadd.s32 $0x400, s0;
	s24 =	smul.u32 $0x640000, s5;
	p0 =	sne.s32 s5, $0x0  }
0x7: {  	s6 =	sor.u32 s12, s4;
	s8 =	ssub.s32 $0x2, s12;
	s14 =	smul.u32 $0x6400, s12  }
0x8: {  	[smem:$0x7FF] =	sst s3;
	s7 =	smul.u32 $0x6400, s6;
	s9 =	sshrl.u32 s8, $0x1  }
0x9: {  	_ =	strace $0x80000047;
	s10 =	smul.u32 $0x320000, s6;
	s17 =	ssub.s32 s8, s9  }
0xa: {  	s13 =	sadd.s32 s14, s13;
	s16 =	sshrl.u32 s7, $0x3;
	s18 =	sor.u32 $0x200, s7  }
0xb: {  	s19 =	sor.u32 $0x300, s7;
	s11 =	sor.u32 $0x8000, s10;
	s21 =	smax.u32 s17, $0x1  }
0xc: {  	s22 =	sshrl.u32 s10, $0x3;
	s15 =	sadd.s32 $0x500, s13;
	s17 =	sadd.s32 $0x400, s13  }
0xd: {  	s4 =	sadd.s32 s0, s16;
	s20 =	sshrl.u32 s18, $0x3;
	[dreg:$0x7] =	wrdreg s21  }
0xe: {  	s9 =	sshrl.u32 s19, $0x3;
	s8 =	sadd.s32 s1, s22;
	s23 =	sshrl.u32 s11, $0x3  }
0xf: {  	s16 =	smul.u32 $0x320000, s12;
	s15 =	sshrl.u32 s15, $0x3;
	s25 =	sshrl.u32 s17, $0x3  }
0x10: {  	s17 =	sshrl.u32 @!p0 s2, $0x3;
	s18 =	simm.s32 $0x640;
	s19 =	simm.s32 $0x740  }
0x11: {  	s21 =	simm.s32 $0x100;
	s22 =	simm.s32 $0x840;
	[dreg:$0x5] =	wrdreg s4  }
0x12: {  	s4 =	sadd.s32 $0x20, s4;
	s7 =	sadd.s32 s0, s20;
	s9 =	sadd.s32 s0, s9  }
0x13: {  	s10 =	sadd.s32 s1, s23;
	s11 =	sadd.s32 $0x62000, s8;
	s12 =	sadd.s32 $0x63000, s8  }
0x14: {  	s13 =	sadd.s32 s15, s0;
	s14 =	sadd.s32 s25, s0;
	s20 =	simm.s32 $0x1  }
0x15: {  	s23 =	simm.s32 $0x2;
	s25 =	simm.s32 $0x3;
	s16 =	sadd.s32 s16, s24  }
0x16: {  	[dreg:$0x6] =	wrdreg s4;
	s26 =	sor.u32 $0x18000, s16;
	s31 =	sor.u32 $0x10000, s16  }
0x17: {  	s24 =	simm.s32 $0x8840;
	s0 =	sshrl.u32 s26, $0x3;
	s15 =	sshrl.u32 s31, $0x3  }
0x18: {  	s26 =	simm.s32 $0x5;
	s5 =	sadd.s32 s0, s1;
	s16 =	sadd.s32 s15, s1  }
.LBB2_1:
0x19: {  	s0 =	simm.s32 @!p0 $0x1C07;
	s1 =	rddreg [dreg:$0x0]  }
0x1a: {  	[spmem:s17], [sflag:s0] =	dma.local @!p0 [hbm:s1], $0xC80  }
0x1b: {  	s0 =	simm.s32 @!p0 $0x7  }
0x1c: {  	_ =	swait.ge @!p0 [sflag:s0], $0xC80  }
0x1d: {  	[sflag:s0] =	ssyncset.done @!p0 $0x0  }
0x1e: {  	[sflag:s0] =	ssyncadd.s32 @!p0 $0xFFFFF380  }
0x1f: {  	[bflag:$0x0] =	sbarrier.arrive $0xFFFF  }
0x20: {  	s1 =	rddreg [dreg:$0x5]  }
0x21: {  	[tilespmem:s18], [sflag:$0x1] =	stream.linear.gather [hbm4b:s1+s3], $0x100, $0x38;
	[tilespmem:$0x10840] =	vst v63  }
0x22: {  	s4 =	rddreg [dreg:$0x6]  }
0x23: {  	[tilespmem:s19], [sflag:$0x2] =	stream.linear.gather [hbm4b:s4+s3], $0x100, $0x38;
	[tilespmem:$0x10840] =	vst v63  }
0x24: {  	_ =	swait.ge [sflag:s20], $0x100  }
0x25: {  	[sflag:s20] =	ssyncset.done $0x0  }
0x26: {  	[sflag:s20] =	ssyncadd.s32 $0xFFFFFF00  }
0x27: {  	[tilespmem:s22], [sflag:$0x3] =	stream.indirect.gather [spmem:s2], $0x80, s18, s21, $0xb8;
	[tilespmem:$0x10840] =	vst v63  }
0x28: {  	_ =	swait.ge [sflag:s23], $0x100  }
0x29: {  	[sflag:s23] =	ssyncset.done $0x0  }
0x2a: {  	[sflag:s23] =	ssyncadd.s32 $0xFFFFFF00  }
0x2b: {  	[tilespmem:s24], [sflag:$0x4] =	stream.indirect.gather [spmem:s2], $0x80, s19, s21, $0xb8;
	[tilespmem:$0x10840] =	vst v63  }
0x2c: {  	_ =	swait.ge [sflag:s25], $0x8000  }
0x2d: {  	[sflag:s25] =	ssyncset.done $0x0  }
0x2e: {  	[sflag:s25] =	ssyncadd.s32 $0xFFFF8000  }
0x2f: {  	[tilespmem:s18], [sflag:$0x1] =	stream.linear.gather [hbm4b:s7+s3], $0x100, $0x38;
	[tilespmem:$0x10840] =	vst v63  }
0x30: {  	_ = 	snop  }
0x31: {  	[hbm4b:s8+s3] =	stream.linear.scatter [tilespmem:s22], [sflag:$0x5], $0x8000, $0x38;
	[tilespmem:$0x10840] =	vst v63  }
0x32: {  	_ =	swait.ge [sflag:s26], $0x8000  }
0x33: {  	[sflag:s26] =	ssyncset.done $0x0  }
0x34: {  	[sflag:s26] =	ssyncadd.s32 $0xFFFF8000  }
0x35: {  	_ =	swait.ge [sflag:s20], $0x100  }
0x36: {  	[sflag:s20] =	ssyncset.done $0x0  }
0x37: {  	[sflag:s20] =	ssyncadd.s32 $0xFFFFFF00  }
0x38: {  	[tilespmem:s22], [sflag:$0x3] =	stream.indirect.gather [spmem:s2], $0x80, s18, s21, $0xb8;
	[tilespmem:$0x10840] =	vst v63  }
0x39: {  	_ =	swait.ge [sflag:s28], $0x8000  }
0x3a: {  	[sflag:s28] =	ssyncset.done $0x0  }
0x3b: {  	[sflag:s28] =	ssyncadd.s32 $0xFFFF8000  }
0x3c: {  	[tilespmem:s19], [sflag:$0x2] =	stream.linear.gather [hbm4b:s9+s3], $0x100, $0x38;
	[tilespmem:$0x10840] =	vst v63  }
0x3d: {  	_ = 	snop  }
0x3e: {  	[hbm4b:s10+s3] =	stream.linear.scatter [tilespmem:s24], [sflag:$0x6], $0x8000, $0x38;
	[tilespmem:$0x10840] =	vst v63  }
0x3f: {  	_ =	swait.ge [sflag:s29], $0x8000  }
0x40: {  	[sflag:s29] =	ssyncset.done $0x0  }
0x41: {  	[sflag:s29] =	ssyncadd.s32 $0xFFFF8000  }
0x42: {  	_ =	swait.ge [sflag:s23], $0x100  }
0x43: {  	[sflag:s23] =	ssyncset.done $0x0  }
0x44: {  	[sflag:s23] =	ssyncadd.s32 $0xFFFFFF00  }
0x45: {  	[tilespmem:s24], [sflag:$0x4] =	stream.indirect.gather [spmem:s2], $0x80, s19, s21, $0xb8;
	[tilespmem:$0x10840] =	vst v63  }
0x46: {  	_ =	swait.ge [sflag:s25], $0x8000  }
0x47: {  	[sflag:s25] =	ssyncset.done $0x0  }
0x48: {  	s6 =	sadd.s32 $0x0, s14;
	[sflag:s25] =	ssyncadd.s32 $0xFFFF8000  }
0x49: {  	[tilespmem:s18], [sflag:$0x1] =	stream.linear.gather [hbm4b:s6+s3], $0x100, $0x38;
	[tilespmem:$0x10840] =	vst v63  }
0x4a: {  	_ = 	snop  }
0x4b: {  	[hbm4b:s16+s3] =	stream.linear.scatter [tilespmem:s22], [sflag:$0x5], $0x8000, $0x38;
	[tilespmem:$0x10840] =	vst v63  }
0x4c: {  	_ =	swait.ge [sflag:s26], $0x8000  }
0x4d: {  	[sflag:s26] =	ssyncset.done $0x0  }
0x4e: {  	[sflag:s26] =	ssyncadd.s32 $0xFFFF8000  }
0x4f: {  	_ =	swait.ge [sflag:s20], $0x100  }
0x50: {  	[sflag:s20] =	ssyncset.done $0x0  }
0x51: {  	[sflag:s20] =	ssyncadd.s32 $0xFFFFFF00  }
0x52: {  	[tilespmem:s22], [sflag:$0x3] =	stream.indirect.gather [spmem:s2], $0x80, s18, s21, $0xb8;
	[tilespmem:$0x10840] =	vst v63  }
0x53: {  	_ =	swait.ge [sflag:s28], $0x8000  }
0x54: {  	[sflag:s28] =	ssyncset.done $0x0  }
0x55: {  	s15 =	sadd.s32 $0x0, s13;
	s31 =	simm.s32 $0x40;
	[sflag:s28] =	ssyncadd.s32 $0xFFFF8000  }
0x56: {  	[tilespmem:s19], [sflag:$0x2] =	stream.linear.gather [hbm4b:s15+s3], $0x100, $0x38;
	[tilespmem:$0x10840] =	vst v63  }
0x57: {  	s0 =	sadd.s32 $0x2000, s16;
	s1 =	sadd.s32 $0x2000, s5;
	s15 =	smov.u32 s5  }
.LBB2_2:
0x58: {  	[hbm4b:s15+s3] =	stream.linear.scatter [tilespmem:s24], [sflag:$0x6], $0x8000, $0x38;
	[tilespmem:$0x10840] =	vst v63  }
0x59: {  	s4 =	smov.u32 s31;
	s15 =	smov.u32 s1  }
0x5a: {  	p1 =	sne.s32 s31, $0xBC0;
	s31 =	sadd.s32 $0x40, s31;
	_ =	swait.ge [sflag:s29], $0x8000  }
0x5b: {  	[sflag:s29] =	ssyncset.done $0x0  }
0x5c: {  	[sflag:s29] =	ssyncadd.s32 $0xFFFF8000  }
0x5d: {  	_ =	swait.ge [sflag:s23], $0x100  }
0x5e: {  	[sflag:s23] =	ssyncset.done $0x0  }
0x5f: {  	[sflag:s23] =	ssyncadd.s32 $0xFFFFFF00  }
0x60: {  	[tilespmem:s24], [sflag:$0x4] =	stream.indirect.gather [spmem:s2], $0x80, s19, s21, $0xb8;
	[tilespmem:$0x10840] =	vst v63  }
0x61: {  	_ =	swait.ge [sflag:s25], $0x8000  }
0x62: {  	[sflag:s25] =	ssyncset.done $0x0  }
0x63: {  	s6 =	sadd.s32 s4, s14;
	[sflag:s25] =	ssyncadd.s32 $0xFFFF8000  }
0x64: {  	[tilespmem:s18], [sflag:$0x1] =	stream.linear.gather [hbm4b:s6+s3], $0x100, $0x38;
	[tilespmem:$0x10840] =	vst v63  }
0x65: {  	_ = 	snop  }
0x66: {  	[hbm4b:s0+s3] =	stream.linear.scatter [tilespmem:s22], [sflag:$0x5], $0x8000, $0x38;
	[tilespmem:$0x10840] =	vst v63  }
0x67: {  	_ =	swait.ge [sflag:s26], $0x8000  }
0x68: {  	[sflag:s26] =	ssyncset.done $0x0  }
0x69: {  	[sflag:s26] =	ssyncadd.s32 $0xFFFF8000  }
0x6a: {  	_ =	swait.ge [sflag:s20], $0x100  }
0x6b: {  	[sflag:s20] =	ssyncset.done $0x0  }
0x6c: {  	[sflag:s20] =	ssyncadd.s32 $0xFFFFFF00  }
0x6d: {  	[tilespmem:s22], [sflag:$0x3] =	stream.indirect.gather [spmem:s2], $0x80, s18, s21, $0xb8;
	[tilespmem:$0x10840] =	vst v63  }
.Ltmp0:
0x6e: {  	_ =	swait.ge [sflag:s28], $0x8000;
	(pc) =	sbr.rel @p1 .LBB2_2-.Ltmp0, $4  }
0x6f: {  	[sflag:s28] =	ssyncset.done $0x0  }
0x70: {  	s4 =	sadd.s32 s4, s13;
	[sflag:s28] =	ssyncadd.s32 $0xFFFF8000  }
0x71: {  	[tilespmem:s19], [sflag:$0x2] =	stream.linear.gather [hbm4b:s4+s3], $0x100, $0x38;
	[tilespmem:$0x10840] =	vst v63  }
0x72: {  	s1 =	sadd.s32 $0x2000, s1;
	s0 =	sadd.s32 $0x2000, s0  }
0x73: {  	[hbm4b:s15+s3] =	stream.linear.scatter [tilespmem:s24], [sflag:$0x6], $0x8000, $0x38;
	[tilespmem:$0x10840] =	vst v63  }
0x74: {  	_ =	swait.ge [sflag:s29], $0x8000  }
0x75: {  	[sflag:s29] =	ssyncset.done $0x0  }
0x76: {  	[sflag:s29] =	ssyncadd.s32 $0xFFFF8000  }
0x77: {  	_ =	swait.ge [sflag:s23], $0x100  }
0x78: {  	[sflag:s23] =	ssyncset.done $0x0  }
0x79: {  	[sflag:s23] =	ssyncadd.s32 $0xFFFFFF00  }
0x7a: {  	[tilespmem:s24], [sflag:$0x4] =	stream.indirect.gather [spmem:s2], $0x80, s19, s21, $0xb8;
	[tilespmem:$0x10840] =	vst v63  }
0x7b: {  	_ =	swait.ge [sflag:s25], $0x8000  }
0x7c: {  	[sflag:s25] =	ssyncset.done $0x0  }
0x7d: {  	[sflag:s25] =	ssyncadd.s32 $0xFFFF8000  }
0x7e: {  	[hbm4b:s11+s3] =	stream.linear.scatter [tilespmem:s22], [sflag:$0x5], $0x8000, $0x38;
	[tilespmem:$0x10840] =	vst v63  }
0x7f: {  	_ =	swait.ge [sflag:s26], $0x8000  }
0x80: {  	[sflag:s26] =	ssyncset.done $0x0  }
0x81: {  	[sflag:s26] =	ssyncadd.s32 $0xFFFF8000  }
0x82: {  	_ =	swait.ge [sflag:s28], $0x8000  }
0x83: {  	[sflag:s28] =	ssyncset.done $0x0  }
0x84: {  	[sflag:s28] =	ssyncadd.s32 $0xFFFF8000  }
0x85: {  	[hbm4b:s12+s3] =	stream.linear.scatter [tilespmem:s24], [sflag:$0x6], $0x8000, $0x38;
	[tilespmem:$0x10840] =	vst v63  }
0x86: {  	_ =	swait.ge [sflag:s29], $0x8000  }
0x87: {  	s30 =	sadd.s32 $0x1, s30;
	s0 =	rddreg [dreg:$0x7]  }
0x88: {  	p1 =	sne.s32 s30, s0  }
.Ltmp1:
0x89: {  	_ = 	snop;
	(pc) =	sbr.rel @p1 .LBB2_1-.Ltmp1, $3  }
0x8a: {  	_ =	sdelay $0x1  }
0x8b: {  	[sflag:s29] =	ssyncset.done $0x0  }
0x8c: {  	[sflag:s29] =	ssyncadd.s32 $0xFFFF8000  }
0x8d: {  	_ =	sfence.sel $0x180000  }
0x8e: {  	[bflag:$0x0] =	sbarrier.arrive $0xFFFF  }
0x8f: {  	_ =	strace $0x90000047  }
0x90: {  	[bflag:$0x2] =	sbarrier.arrive $0xFFFF  }
0x91: {  	s0 =	rddreg [dreg:$0x4]  }
0x92: {  	s0 =	sadd.s32 @!p0 $0x100000, s0  }
0x93: {  	[sflag:s0] =	ssyncadd.tile.s32 @!p0 $0x1;
	_ =	shalt  }
.Lfunc_end2:
_tile_overlayer_lowered:
.L_overlay_start_2:
0x94: {  	(tag) =	ssettag $0x2  }
0x95: {  	s0 =	rddreg [dreg:$0x0];
	s2 =	stileid.u32  }
0x96: {  	s1 =	rddreg [dreg:$0x1];
	p0 =	sne.s32 s2, $0x0  }
0x97: {  	s3 =	rddreg [dreg:$0x2];
	[bflag:$0x3] =	sbarrier.arrive $0xFFFF;
	s2 =	simm.s32 @!p0 $0x1C07  }
0x98: {  	[timem:s3], [sflag:s2] =	dma.local @!p0 [hbm:s0], s1  }
0x99: {  	s0 =	simm.s32 @!p0 $0x7  }
0x9a: {  	_ =	swait.ge @!p0 [sflag:s0], s1  }
0x9b: {  	s1 =	ssub.s32 @!p0 $0x0, s1;
	[sflag:s0] =	ssyncset.done @!p0 $0x0  }
0x9c: {  	[sflag:s0] =	ssyncadd.s32 @!p0 s1  }
0x9d: {  	[bflag:$0x3] =	sbarrier.arrive $0xFFFF  }
0x9e: {  	_ =	shalt  }

</sc_bundles>
